<compile_context>
chip_gen: v7x
topology: tpu7x:2x2x1
jax: 0.10.2.dev20260603
libtpu: 0.0.44.dev20260713+nightly
codegen_flags: <defaults>
</compile_context>

<pallas_src>
import functools

import jax
import jax.numpy as jnp
from jax import lax
from jax.experimental import pallas as pl
from jax.experimental.pallas import tpu as pltpu
from jax.experimental.pallas import tpu_sc as plsc

_BATCH = 4096
_SEQ = 200
_EMBED = 64
_B = _BATCH * _SEQ

_info = plsc.get_sparse_core_info()
_NC, _NS = _info.num_cores, _info.num_subcores
_NW = _NC * _NS
_PER_W = _B // _NW
_NSLOT = 4
_C = 400
_CHUNKS = _PER_W // _C
_ITERS = _CHUNKS // _NSLOT

_mesh = plsc.VectorSubcoreMesh(core_axis_name="c", subcore_axis_name="s")


@functools.partial(
    pl.kernel,
    mesh=_mesh,
    out_type=jax.ShapeDtypeStruct((_B, _EMBED), jnp.float32),
    scratch_types=(
        [pltpu.VMEM((_C,), jnp.int32) for _ in range(_NSLOT)]
        + [pltpu.VMEM((_C, _EMBED), jnp.float32) for _ in range(_NSLOT)]
        + [pltpu.SemaphoreType.DMA for _ in range(3 * _NSLOT)]
    ),
    compiler_params=pltpu.CompilerParams(use_tc_tiling_on_sc=False),
)
def _gather_kernel(ids_hbm, table_hbm, out_hbm, *scr):
    idx = scr[0:_NSLOT]
    rows = scr[_NSLOT : 2 * _NSLOT]
    isem = scr[2 * _NSLOT : 3 * _NSLOT]
    gsem = scr[3 * _NSLOT : 4 * _NSLOT]
    osem = scr[4 * _NSLOT : 5 * _NSLOT]

    wid = lax.axis_index("s") * _NC + lax.axis_index("c")
    base = wid * _PER_W

    for s in range(_NSLOT):
        pltpu.async_copy(ids_hbm.at[pl.ds(base + s * _C, _C)], idx[s], isem[s])

    def body(t, carry):
        off = base + t * (_NSLOT * _C)
        gathers = []
        for s in range(_NSLOT):
            o = off + s * _C
            pltpu.make_async_copy(ids_hbm.at[pl.ds(o, _C)], idx[s], isem[s]).wait()

            @pl.when(t > 0)
            def _(s=s, o=o):
                pltpu.make_async_copy(
                    rows[s], out_hbm.at[pl.ds(o - _NSLOT * _C, _C)], osem[s]
                ).wait()

            gathers.append(pltpu.async_copy(table_hbm.at[idx[s]], rows[s], gsem[s]))

        for s in range(_NSLOT):
            o = off + s * _C
            gathers[s].wait()
            pltpu.async_copy(rows[s], out_hbm.at[pl.ds(o, _C)], osem[s])

            @pl.when(t < _ITERS - 1)
            def _(s=s, o=o):
                pltpu.async_copy(
                    ids_hbm.at[pl.ds(o + _NSLOT * _C, _C)], idx[s], isem[s]
                )

        return carry

    lax.fori_loop(0, _ITERS, body, 0)

    for s in range(_NSLOT):
        o = base + (_CHUNKS - _NSLOT + s) * _C
        pltpu.make_async_copy(rows[s], out_hbm.at[pl.ds(o, _C)], osem[s]).wait()


def kernel(input_ids, table):
    ids = input_ids.T.reshape(-1).astype(jnp.int32)
    out = _gather_kernel(ids, table)
    return out.reshape(_SEQ, _BATCH, _EMBED).transpose(1, 0, 2)

# --- scband reference (transcript-rebuilt; emitter-appended) ---
"""Pipeline reference for scband-embeddings-with-fixes-4200478015645 (READ-ONLY COPY).

The authoritative reference and input builder live on the scoring server;
editing this copy changes nothing except your own understanding.
"""

import jax, jax.numpy as jnp
import numpy as np

VOCAB = 1000000
EMBED_DIM = 64
BATCH = 4096
SEQ = 200

def setup_inputs(seed: int = 0) -> dict:
    key = jax.random.key(seed)
    k_ids, k_tab = jax.random.split(key)
    input_ids = jax.random.randint(k_ids, (BATCH, SEQ), 0, VOCAB, dtype=jnp.int64 if jax.config.read('jax_enable_x64') else jnp.int32)
    # learned parameter: the wrapped nn.Embedding weight table
    table = jax.random.normal(k_tab, (VOCAB, EMBED_DIM), dtype=jnp.float32) * 0.02
    return {"input_ids": input_ids, "table": table}

def reference(input_ids, table):
    # EmbeddingsWithFixes.forward with embeddings.fixes = None (the common / hot path):
    # batch_fixes is None -> return self.wrapped(input_ids), i.e. a plain embedding gather.
    inputs_embeds = jnp.take(table, input_ids, axis=0)
    return inputs_embeds

if __name__ == "__main__":
    import jax
    _d = setup_inputs()
    print(jax.jit(kernel)(*tuple(_d.values())))

</pallas_src>

<mosaic_0001>
#map = affine_map<(d0, d1) -> (0)>
#map1 = affine_map<(d0, d1) -> (0, 0)>
module attributes {stable_mosaic.version = 14 : i64} {
  func.func @_gather_kernel(%arg0: i32, %arg1: i32, %arg2: memref<819200xi32, #tpu.memory_space<hbm>>, %arg3: memref<1000000x64xf32, #tpu.memory_space<hbm>>, %arg4: memref<819200x64xf32, #tpu.memory_space<hbm>>, %arg5: memref<400xi32, #tpu.memory_space<vmem>>, %arg6: memref<400xi32, #tpu.memory_space<vmem>>, %arg7: memref<400xi32, #tpu.memory_space<vmem>>, %arg8: memref<400xi32, #tpu.memory_space<vmem>>, %arg9: memref<400x64xf32, #tpu.memory_space<vmem>>, %arg10: memref<400x64xf32, #tpu.memory_space<vmem>>, %arg11: memref<400x64xf32, #tpu.memory_space<vmem>>, %arg12: memref<400x64xf32, #tpu.memory_space<vmem>>, %arg13: memref<!tpu.dma_semaphore, #tpu.memory_space<semaphore_mem>>, %arg14: memref<!tpu.dma_semaphore, #tpu.memory_space<semaphore_mem>>, %arg15: memref<!tpu.dma_semaphore, #tpu.memory_space<semaphore_mem>>, %arg16: memref<!tpu.dma_semaphore, #tpu.memory_space<semaphore_mem>>, %arg17: memref<!tpu.dma_semaphore, #tpu.memory_space<semaphore_mem>>, %arg18: memref<!tpu.dma_semaphore, #tpu.memory_space<semaphore_mem>>, %arg19: memref<!tpu.dma_semaphore, #tpu.memory_space<semaphore_mem>>, %arg20: memref<!tpu.dma_semaphore, #tpu.memory_space<semaphore_mem>>, %arg21: memref<!tpu.dma_semaphore, #tpu.memory_space<semaphore_mem>>, %arg22: memref<!tpu.dma_semaphore, #tpu.memory_space<semaphore_mem>>, %arg23: memref<!tpu.dma_semaphore, #tpu.memory_space<semaphore_mem>>, %arg24: memref<!tpu.dma_semaphore, #tpu.memory_space<semaphore_mem>>) attributes {dimension_semantics = [#tpu.dimension_semantics<core_parallel>, #tpu.dimension_semantics<subcore_parallel>], iteration_bounds = array<i64: 2, 16>, scalar_prefetch = 0 : i64, scratch_operands = 20 : i64, tpu.core_type = #tpu.core_type<sc_vector_subcore>, window_params = [{transform_indices = #map}, {transform_indices = #map1}, {transform_indices = #map1}]} {
    %mul3A = arith.constant 2 : i32
    %mul3A_0 = arith.muli %arg1, %mul3A : i32
    %add3A = arith.addi %mul3A_0, %arg0 : i32
    %mul3A_1 = arith.constant 25600 : i32
    %mul3A_2 = arith.muli %add3A, %mul3A_1 : i32
    %add3A_3 = arith.constant 0 : i32
    %add3A_4 = arith.addi %mul3A_2, %add3A_3 : i32
    %dma_start3A = tpu.memref_slice %arg2[%add3A_4] : memref<819200xi32, #tpu.memory_space<hbm>> -> memref<400xi32, #tpu.memory_space<hbm>>
    %dma_start3A_5 = tpu.memref_slice %arg2[%add3A_4] : memref<819200xi32, #tpu.memory_space<hbm>> -> memref<400xi32, #tpu.memory_space<hbm>>
    tpu.enqueue_dma source(%dma_start3A_5 : memref<400xi32, #tpu.memory_space<hbm>>) target(%arg5 : memref<400xi32, #tpu.memory_space<vmem>>) target_semaphore(%arg13 : memref<!tpu.dma_semaphore, #tpu.memory_space<semaphore_mem>>)
    %add3A_6 = arith.constant 400 : i32
    %add3A_7 = arith.addi %mul3A_2, %add3A_6 : i32
    %dma_start3A_8 = tpu.memref_slice %arg2[%add3A_7] : memref<819200xi32, #tpu.memory_space<hbm>> -> memref<400xi32, #tpu.memory_space<hbm>>
    %dma_start3A_9 = tpu.memref_slice %arg2[%add3A_7] : memref<819200xi32, #tpu.memory_space<hbm>> -> memref<400xi32, #tpu.memory_space<hbm>>
    tpu.enqueue_dma source(%dma_start3A_9 : memref<400xi32, #tpu.memory_space<hbm>>) target(%arg6 : memref<400xi32, #tpu.memory_space<vmem>>) target_semaphore(%arg14 : memref<!tpu.dma_semaphore, #tpu.memory_space<semaphore_mem>>)
    %add3A_10 = arith.constant 800 : i32
    %add3A_11 = arith.addi %mul3A_2, %add3A_10 : i32
    %dma_start3A_12 = tpu.memref_slice %arg2[%add3A_11] : memref<819200xi32, #tpu.memory_space<hbm>> -> memref<400xi32, #tpu.memory_space<hbm>>
    %dma_start3A_13 = tpu.memref_slice %arg2[%add3A_11] : memref<819200xi32, #tpu.memory_space<hbm>> -> memref<400xi32, #tpu.memory_space<hbm>>
    tpu.enqueue_dma source(%dma_start3A_13 : memref<400xi32, #tpu.memory_space<hbm>>) target(%arg7 : memref<400xi32, #tpu.memory_space<vmem>>) target_semaphore(%arg15 : memref<!tpu.dma_semaphore, #tpu.memory_space<semaphore_mem>>)
    %add3A_14 = arith.constant 1200 : i32
    %add3A_15 = arith.addi %mul3A_2, %add3A_14 : i32
    %dma_start3A_16 = tpu.memref_slice %arg2[%add3A_15] : memref<819200xi32, #tpu.memory_space<hbm>> -> memref<400xi32, #tpu.memory_space<hbm>>
    %dma_start3A_17 = tpu.memref_slice %arg2[%add3A_15] : memref<819200xi32, #tpu.memory_space<hbm>> -> memref<400xi32, #tpu.memory_space<hbm>>
    tpu.enqueue_dma source(%dma_start3A_17 : memref<400xi32, #tpu.memory_space<hbm>>) target(%arg8 : memref<400xi32, #tpu.memory_space<vmem>>) target_semaphore(%arg16 : memref<!tpu.dma_semaphore, #tpu.memory_space<semaphore_mem>>)
    %scan3A = arith.constant 0 : i32
    %scan3A_18 = arith.constant 0 : i32
    %scan3A_19 = arith.constant 16 : i32
    %scan3A_20 = arith.addi %scan3A_18, %scan3A_19 : i32
    %scan3A_21 = arith.constant 1 : i32
    scf.for %scan3A_46 = %scan3A_18 to %scan3A_20 step %scan3A_21  : i32 {
      %mul3A_47 = arith.constant 1600 : i32
      %mul3A_48 = arith.muli %scan3A_46, %mul3A_47 : i32
      %add3A_49 = arith.addi %mul3A_2, %mul3A_48 : i32
      %add3A_50 = arith.constant 0 : i32
      %add3A_51 = arith.addi %add3A_49, %add3A_50 : i32
      %dma_wait3A_52 = tpu.memref_slice %arg2[%add3A_51] : memref<819200xi32, #tpu.memory_space<hbm>> -> memref<400xi32, #tpu.memory_space<hbm>>
      %dma_wait3A_53 = tpu.memref_slice %arg2[%add3A_51] : memref<819200xi32, #tpu.memory_space<hbm>> -> memref<400xi32, #tpu.memory_space<hbm>>
      tpu.wait_dma2 semaphore(%arg13 : memref<!tpu.dma_semaphore, #tpu.memory_space<semaphore_mem>>) src(%dma_wait3A_53 : memref<400xi32, #tpu.memory_space<hbm>>) dst(%arg5 : memref<400xi32, #tpu.memory_space<vmem>>)
      %gt3A = arith.constant 0 : i32
      %gt3A_54 = arith.cmpi sgt, %scan3A_46, %gt3A : i32
      %convert_element_type3A = arith.extui %gt3A_54 : i1 to i32
      %cond3A = arith.constant 0 : i32
      %cond3A_55 = arith.cmpi ne, %convert_element_type3A, %cond3A : i32
      scf.if %cond3A_55 {
        %sub3A = arith.constant 1600 : i32
        %sub3A_150 = arith.subi %add3A_51, %sub3A : i32
        %dma_wait3A_151 = arith.constant 0 : i32
        %dma_wait3A_152 = tpu.memref_slice %arg4[%sub3A_150, %dma_wait3A_151] : memref<819200x64xf32, #tpu.memory_space<hbm>> -> memref<400x64xf32, #tpu.memory_space<hbm>>
        %dma_wait3A_153 = arith.constant 0 : i32
        %dma_wait3A_154 = tpu.memref_slice %arg4[%sub3A_150, %dma_wait3A_153] : memref<819200x64xf32, #tpu.memory_space<hbm>> -> memref<400x64xf32, #tpu.memory_space<hbm>>
        tpu.wait_dma2 semaphore(%arg21 : memref<!tpu.dma_semaphore, #tpu.memory_space<semaphore_mem>>) src(%arg9 : memref<400x64xf32, #tpu.memory_space<vmem>>) dst(%dma_wait3A_154 : memref<400x64xf32, #tpu.memory_space<hbm>>)
      } else {
      }
      %dma_start3A_56 = arith.constant 0 : i32
      %dma_start3A_57 = arith.constant 0 : i32
      %dma_start3A_58 = tpu.memref_slice %arg3[%dma_start3A_56, %dma_start3A_57] : memref<1000000x64xf32, #tpu.memory_space<hbm>> -> memref<1000000x64xf32, #tpu.memory_space<hbm>>
      tpu.enqueue_indirect_dma source(%dma_start3A_58 : memref<1000000x64xf32, #tpu.memory_space<hbm>>) target(%arg9 : memref<400x64xf32, #tpu.memory_space<vmem>>) offsets(%arg5 : memref<400xi32, #tpu.memory_space<vmem>>) semaphore(%arg17 : memref<!tpu.dma_semaphore, #tpu.memory_space<semaphore_mem>>)
      %add3A_59 = arith.constant 400 : i32
      %add3A_60 = arith.addi %add3A_49, %add3A_59 : i32
      %dma_wait3A_61 = tpu.memref_slice %arg2[%add3A_60] : memref<819200xi32, #tpu.memory_space<hbm>> -> memref<400xi32, #tpu.memory_space<hbm>>
      %dma_wait3A_62 = tpu.memref_slice %arg2[%add3A_60] : memref<819200xi32, #tpu.memory_space<hbm>> -> memref<400xi32, #tpu.memory_space<hbm>>
      tpu.wait_dma2 semaphore(%arg14 : memref<!tpu.dma_semaphore, #tpu.memory_space<semaphore_mem>>) src(%dma_wait3A_62 : memref<400xi32, #tpu.memory_space<hbm>>) dst(%arg6 : memref<400xi32, #tpu.memory_space<vmem>>)
      %gt3A_63 = arith.constant 0 : i32
      %gt3A_64 = arith.cmpi sgt, %scan3A_46, %gt3A_63 : i32
      %convert_element_type3A_65 = arith.extui %gt3A_64 : i1 to i32
      %cond3A_66 = arith.constant 0 : i32
      %cond3A_67 = arith.cmpi ne, %convert_element_type3A_65, %cond3A_66 : i32
      scf.if %cond3A_67 {
        %sub3A = arith.constant 1600 : i32
        %sub3A_150 = arith.subi %add3A_60, %sub3A : i32
        %dma_wait3A_151 = arith.constant 0 : i32
        %dma_wait3A_152 = tpu.memref_slice %arg4[%sub3A_150, %dma_wait3A_151] : memref<819200x64xf32, #tpu.memory_space<hbm>> -> memref<400x64xf32, #tpu.memory_space<hbm>>
        %dma_wait3A_153 = arith.constant 0 : i32
        %dma_wait3A_154 = tpu.memref_slice %arg4[%sub3A_150, %dma_wait3A_153] : memref<819200x64xf32, #tpu.memory_space<hbm>> -> memref<400x64xf32, #tpu.memory_space<hbm>>
        tpu.wait_dma2 semaphore(%arg22 : memref<!tpu.dma_semaphore, #tpu.memory_space<semaphore_mem>>) src(%arg10 : memref<400x64xf32, #tpu.memory_space<vmem>>) dst(%dma_wait3A_154 : memref<400x64xf32, #tpu.memory_space<hbm>>)
      } else {
      }
      %dma_start3A_68 = arith.constant 0 : i32
      %dma_start3A_69 = arith.constant 0 : i32
      %dma_start3A_70 = tpu.memref_slice %arg3[%dma_start3A_68, %dma_start3A_69] : memref<1000000x64xf32, #tpu.memory_space<hbm>> -> memref<1000000x64xf32, #tpu.memory_space<hbm>>
      tpu.enqueue_indirect_dma source(%dma_start3A_70 : memref<1000000x64xf32, #tpu.memory_space<hbm>>) target(%arg10 : memref<400x64xf32, #tpu.memory_space<vmem>>) offsets(%arg6 : memref<400xi32, #tpu.memory_space<vmem>>) semaphore(%arg18 : memref<!tpu.dma_semaphore, #tpu.memory_space<semaphore_mem>>)
      %add3A_71 = arith.constant 800 : i32
      %add3A_72 = arith.addi %add3A_49, %add3A_71 : i32
      %dma_wait3A_73 = tpu.memref_slice %arg2[%add3A_72] : memref<819200xi32, #tpu.memory_space<hbm>> -> memref<400xi32, #tpu.memory_space<hbm>>
      %dma_wait3A_74 = tpu.memref_slice %arg2[%add3A_72] : memref<819200xi32, #tpu.memory_space<hbm>> -> memref<400xi32, #tpu.memory_space<hbm>>
      tpu.wait_dma2 semaphore(%arg15 : memref<!tpu.dma_semaphore, #tpu.memory_space<semaphore_mem>>) src(%dma_wait3A_74 : memref<400xi32, #tpu.memory_space<hbm>>) dst(%arg7 : memref<400xi32, #tpu.memory_space<vmem>>)
      %gt3A_75 = arith.constant 0 : i32
      %gt3A_76 = arith.cmpi sgt, %scan3A_46, %gt3A_75 : i32
      %convert_element_type3A_77 = arith.extui %gt3A_76 : i1 to i32
      %cond3A_78 = arith.constant 0 : i32
      %cond3A_79 = arith.cmpi ne, %convert_element_type3A_77, %cond3A_78 : i32
      scf.if %cond3A_79 {
        %sub3A = arith.constant 1600 : i32
        %sub3A_150 = arith.subi %add3A_72, %sub3A : i32
        %dma_wait3A_151 = arith.constant 0 : i32
        %dma_wait3A_152 = tpu.memref_slice %arg4[%sub3A_150, %dma_wait3A_151] : memref<819200x64xf32, #tpu.memory_space<hbm>> -> memref<400x64xf32, #tpu.memory_space<hbm>>
        %dma_wait3A_153 = arith.constant 0 : i32
        %dma_wait3A_154 = tpu.memref_slice %arg4[%sub3A_150, %dma_wait3A_153] : memref<819200x64xf32, #tpu.memory_space<hbm>> -> memref<400x64xf32, #tpu.memory_space<hbm>>
        tpu.wait_dma2 semaphore(%arg23 : memref<!tpu.dma_semaphore, #tpu.memory_space<semaphore_mem>>) src(%arg11 : memref<400x64xf32, #tpu.memory_space<vmem>>) dst(%dma_wait3A_154 : memref<400x64xf32, #tpu.memory_space<hbm>>)
      } else {
      }
      %dma_start3A_80 = arith.constant 0 : i32
      %dma_start3A_81 = arith.constant 0 : i32
      %dma_start3A_82 = tpu.memref_slice %arg3[%dma_start3A_80, %dma_start3A_81] : memref<1000000x64xf32, #tpu.memory_space<hbm>> -> memref<1000000x64xf32, #tpu.memory_space<hbm>>
      tpu.enqueue_indirect_dma source(%dma_start3A_82 : memref<1000000x64xf32, #tpu.memory_space<hbm>>) target(%arg11 : memref<400x64xf32, #tpu.memory_space<vmem>>) offsets(%arg7 : memref<400xi32, #tpu.memory_space<vmem>>) semaphore(%arg19 : memref<!tpu.dma_semaphore, #tpu.memory_space<semaphore_mem>>)
      %add3A_83 = arith.constant 1200 : i32
      %add3A_84 = arith.addi %add3A_49, %add3A_83 : i32
      %dma_wait3A_85 = tpu.memref_slice %arg2[%add3A_84] : memref<819200xi32, #tpu.memory_space<hbm>> -> memref<400xi32, #tpu.memory_space<hbm>>
      %dma_wait3A_86 = tpu.memref_slice %arg2[%add3A_84] : memref<819200xi32, #tpu.memory_space<hbm>> -> memref<400xi32, #tpu.memory_space<hbm>>
      tpu.wait_dma2 semaphore(%arg16 : memref<!tpu.dma_semaphore, #tpu.memory_space<semaphore_mem>>) src(%dma_wait3A_86 : memref<400xi32, #tpu.memory_space<hbm>>) dst(%arg8 : memref<400xi32, #tpu.memory_space<vmem>>)
      %gt3A_87 = arith.constant 0 : i32
      %gt3A_88 = arith.cmpi sgt, %scan3A_46, %gt3A_87 : i32
      %convert_element_type3A_89 = arith.extui %gt3A_88 : i1 to i32
      %cond3A_90 = arith.constant 0 : i32
      %cond3A_91 = arith.cmpi ne, %convert_element_type3A_89, %cond3A_90 : i32
      scf.if %cond3A_91 {
        %sub3A = arith.constant 1600 : i32
        %sub3A_150 = arith.subi %add3A_84, %sub3A : i32
        %dma_wait3A_151 = arith.constant 0 : i32
        %dma_wait3A_152 = tpu.memref_slice %arg4[%sub3A_150, %dma_wait3A_151] : memref<819200x64xf32, #tpu.memory_space<hbm>> -> memref<400x64xf32, #tpu.memory_space<hbm>>
        %dma_wait3A_153 = arith.constant 0 : i32
        %dma_wait3A_154 = tpu.memref_slice %arg4[%sub3A_150, %dma_wait3A_153] : memref<819200x64xf32, #tpu.memory_space<hbm>> -> memref<400x64xf32, #tpu.memory_space<hbm>>
        tpu.wait_dma2 semaphore(%arg24 : memref<!tpu.dma_semaphore, #tpu.memory_space<semaphore_mem>>) src(%arg12 : memref<400x64xf32, #tpu.memory_space<vmem>>) dst(%dma_wait3A_154 : memref<400x64xf32, #tpu.memory_space<hbm>>)
      } else {
      }
      %dma_start3A_92 = arith.constant 0 : i32
      %dma_start3A_93 = arith.constant 0 : i32
      %dma_start3A_94 = tpu.memref_slice %arg3[%dma_start3A_92, %dma_start3A_93] : memref<1000000x64xf32, #tpu.memory_space<hbm>> -> memref<1000000x64xf32, #tpu.memory_space<hbm>>
      tpu.enqueue_indirect_dma source(%dma_start3A_94 : memref<1000000x64xf32, #tpu.memory_space<hbm>>) target(%arg12 : memref<400x64xf32, #tpu.memory_space<vmem>>) offsets(%arg8 : memref<400xi32, #tpu.memory_space<vmem>>) semaphore(%arg20 : memref<!tpu.dma_semaphore, #tpu.memory_space<semaphore_mem>>)
      %add3A_95 = arith.constant 0 : i32
      %add3A_96 = arith.addi %add3A_49, %add3A_95 : i32
      %dma_wait3A_97 = arith.constant 0 : i32
      %dma_wait3A_98 = arith.constant 0 : i32
      %dma_wait3A_99 = tpu.memref_slice %arg3[%dma_wait3A_97, %dma_wait3A_98] : memref<1000000x64xf32, #tpu.memory_space<hbm>> -> memref<1000000x64xf32, #tpu.memory_space<hbm>>
      tpu.wait_indirect_dma semaphore(%arg17 : memref<!tpu.dma_semaphore, #tpu.memory_space<semaphore_mem>>) src(%dma_wait3A_99 : memref<1000000x64xf32, #tpu.memory_space<hbm>>) dst(%arg9 : memref<400x64xf32, #tpu.memory_space<vmem>>)
      %dma_start3A_100 = arith.constant 0 : i32
      %dma_start3A_101 = tpu.memref_slice %arg4[%add3A_96, %dma_start3A_100] : memref<819200x64xf32, #tpu.memory_space<hbm>> -> memref<400x64xf32, #tpu.memory_space<hbm>>
      %dma_start3A_102 = arith.constant 0 : i32
      %dma_start3A_103 = tpu.memref_slice %arg4[%add3A_96, %dma_start3A_102] : memref<819200x64xf32, #tpu.memory_space<hbm>> -> memref<400x64xf32, #tpu.memory_space<hbm>>
      tpu.enqueue_dma source(%arg9 : memref<400x64xf32, #tpu.memory_space<vmem>>) target(%dma_start3A_103 : memref<400x64xf32, #tpu.memory_space<hbm>>) target_semaphore(%arg21 : memref<!tpu.dma_semaphore, #tpu.memory_space<semaphore_mem>>)
      %lt3A = arith.constant 15 : i32
      %lt3A_104 = arith.cmpi slt, %scan3A_46, %lt3A : i32
      %convert_element_type3A_105 = arith.extui %lt3A_104 : i1 to i32
      %cond3A_106 = arith.constant 0 : i32
      %cond3A_107 = arith.cmpi ne, %convert_element_type3A_105, %cond3A_106 : i32
      scf.if %cond3A_107 {
        %add3A_150 = arith.constant 1600 : i32
        %add3A_151 = arith.addi %add3A_96, %add3A_150 : i32
        %dma_start3A_152 = tpu.memref_slice %arg2[%add3A_151] : memref<819200xi32, #tpu.memory_space<hbm>> -> memref<400xi32, #tpu.memory_space<hbm>>
        %dma_start3A_153 = tpu.memref_slice %arg2[%add3A_151] : memref<819200xi32, #tpu.memory_space<hbm>> -> memref<400xi32, #tpu.memory_space<hbm>>
        tpu.enqueue_dma source(%dma_start3A_153 : memref<400xi32, #tpu.memory_space<hbm>>) target(%arg5 : memref<400xi32, #tpu.memory_space<vmem>>) target_semaphore(%arg13 : memref<!tpu.dma_semaphore, #tpu.memory_space<semaphore_mem>>)
      } else {
      }
      %add3A_108 = arith.constant 400 : i32
      %add3A_109 = arith.addi %add3A_49, %add3A_108 : i32
      %dma_wait3A_110 = arith.constant 0 : i32
      %dma_wait3A_111 = arith.constant 0 : i32
      %dma_wait3A_112 = tpu.memref_slice %arg3[%dma_wait3A_110, %dma_wait3A_111] : memref<1000000x64xf32, #tpu.memory_space<hbm>> -> memref<1000000x64xf32, #tpu.memory_space<hbm>>
      tpu.wait_indirect_dma semaphore(%arg18 : memref<!tpu.dma_semaphore, #tpu.memory_space<semaphore_mem>>) src(%dma_wait3A_112 : memref<1000000x64xf32, #tpu.memory_space<hbm>>) dst(%arg10 : memref<400x64xf32, #tpu.memory_space<vmem>>)
      %dma_start3A_113 = arith.constant 0 : i32
      %dma_start3A_114 = tpu.memref_slice %arg4[%add3A_109, %dma_start3A_113] : memref<819200x64xf32, #tpu.memory_space<hbm>> -> memref<400x64xf32, #tpu.memory_space<hbm>>
      %dma_start3A_115 = arith.constant 0 : i32
      %dma_start3A_116 = tpu.memref_slice %arg4[%add3A_109, %dma_start3A_115] : memref<819200x64xf32, #tpu.memory_space<hbm>> -> memref<400x64xf32, #tpu.memory_space<hbm>>
      tpu.enqueue_dma source(%arg10 : memref<400x64xf32, #tpu.memory_space<vmem>>) target(%dma_start3A_116 : memref<400x64xf32, #tpu.memory_space<hbm>>) target_semaphore(%arg22 : memref<!tpu.dma_semaphore, #tpu.memory_space<semaphore_mem>>)
      %lt3A_117 = arith.constant 15 : i32
      %lt3A_118 = arith.cmpi slt, %scan3A_46, %lt3A_117 : i32
      %convert_element_type3A_119 = arith.extui %lt3A_118 : i1 to i32
      %cond3A_120 = arith.constant 0 : i32
      %cond3A_121 = arith.cmpi ne, %convert_element_type3A_119, %cond3A_120 : i32
      scf.if %cond3A_121 {
        %add3A_150 = arith.constant 1600 : i32
        %add3A_151 = arith.addi %add3A_109, %add3A_150 : i32
        %dma_start3A_152 = tpu.memref_slice %arg2[%add3A_151] : memref<819200xi32, #tpu.memory_space<hbm>> -> memref<400xi32, #tpu.memory_space<hbm>>
        %dma_start3A_153 = tpu.memref_slice %arg2[%add3A_151] : memref<819200xi32, #tpu.memory_space<hbm>> -> memref<400xi32, #tpu.memory_space<hbm>>
        tpu.enqueue_dma source(%dma_start3A_153 : memref<400xi32, #tpu.memory_space<hbm>>) target(%arg6 : memref<400xi32, #tpu.memory_space<vmem>>) target_semaphore(%arg14 : memref<!tpu.dma_semaphore, #tpu.memory_space<semaphore_mem>>)
      } else {
      }
      %add3A_122 = arith.constant 800 : i32
      %add3A_123 = arith.addi %add3A_49, %add3A_122 : i32
      %dma_wait3A_124 = arith.constant 0 : i32
      %dma_wait3A_125 = arith.constant 0 : i32
      %dma_wait3A_126 = tpu.memref_slice %arg3[%dma_wait3A_124, %dma_wait3A_125] : memref<1000000x64xf32, #tpu.memory_space<hbm>> -> memref<1000000x64xf32, #tpu.memory_space<hbm>>
      tpu.wait_indirect_dma semaphore(%arg19 : memref<!tpu.dma_semaphore, #tpu.memory_space<semaphore_mem>>) src(%dma_wait3A_126 : memref<1000000x64xf32, #tpu.memory_space<hbm>>) dst(%arg11 : memref<400x64xf32, #tpu.memory_space<vmem>>)
      %dma_start3A_127 = arith.constant 0 : i32
      %dma_start3A_128 = tpu.memref_slice %arg4[%add3A_123, %dma_start3A_127] : memref<819200x64xf32, #tpu.memory_space<hbm>> -> memref<400x64xf32, #tpu.memory_space<hbm>>
      %dma_start3A_129 = arith.constant 0 : i32
      %dma_start3A_130 = tpu.memref_slice %arg4[%add3A_123, %dma_start3A_129] : memref<819200x64xf32, #tpu.memory_space<hbm>> -> memref<400x64xf32, #tpu.memory_space<hbm>>
      tpu.enqueue_dma source(%arg11 : memref<400x64xf32, #tpu.memory_space<vmem>>) target(%dma_start3A_130 : memref<400x64xf32, #tpu.memory_space<hbm>>) target_semaphore(%arg23 : memref<!tpu.dma_semaphore, #tpu.memory_space<semaphore_mem>>)
      %lt3A_131 = arith.constant 15 : i32
      %lt3A_132 = arith.cmpi slt, %scan3A_46, %lt3A_131 : i32
      %convert_element_type3A_133 = arith.extui %lt3A_132 : i1 to i32
      %cond3A_134 = arith.constant 0 : i32
      %cond3A_135 = arith.cmpi ne, %convert_element_type3A_133, %cond3A_134 : i32
      scf.if %cond3A_135 {
        %add3A_150 = arith.constant 1600 : i32
        %add3A_151 = arith.addi %add3A_123, %add3A_150 : i32
        %dma_start3A_152 = tpu.memref_slice %arg2[%add3A_151] : memref<819200xi32, #tpu.memory_space<hbm>> -> memref<400xi32, #tpu.memory_space<hbm>>
        %dma_start3A_153 = tpu.memref_slice %arg2[%add3A_151] : memref<819200xi32, #tpu.memory_space<hbm>> -> memref<400xi32, #tpu.memory_space<hbm>>
        tpu.enqueue_dma source(%dma_start3A_153 : memref<400xi32, #tpu.memory_space<hbm>>) target(%arg7 : memref<400xi32, #tpu.memory_space<vmem>>) target_semaphore(%arg15 : memref<!tpu.dma_semaphore, #tpu.memory_space<semaphore_mem>>)
      } else {
      }
      %add3A_136 = arith.constant 1200 : i32
      %add3A_137 = arith.addi %add3A_49, %add3A_136 : i32
      %dma_wait3A_138 = arith.constant 0 : i32
      %dma_wait3A_139 = arith.constant 0 : i32
      %dma_wait3A_140 = tpu.memref_slice %arg3[%dma_wait3A_138, %dma_wait3A_139] : memref<1000000x64xf32, #tpu.memory_space<hbm>> -> memref<1000000x64xf32, #tpu.memory_space<hbm>>
      tpu.wait_indirect_dma semaphore(%arg20 : memref<!tpu.dma_semaphore, #tpu.memory_space<semaphore_mem>>) src(%dma_wait3A_140 : memref<1000000x64xf32, #tpu.memory_space<hbm>>) dst(%arg12 : memref<400x64xf32, #tpu.memory_space<vmem>>)
      %dma_start3A_141 = arith.constant 0 : i32
      %dma_start3A_142 = tpu.memref_slice %arg4[%add3A_137, %dma_start3A_141] : memref<819200x64xf32, #tpu.memory_space<hbm>> -> memref<400x64xf32, #tpu.memory_space<hbm>>
      %dma_start3A_143 = arith.constant 0 : i32
      %dma_start3A_144 = tpu.memref_slice %arg4[%add3A_137, %dma_start3A_143] : memref<819200x64xf32, #tpu.memory_space<hbm>> -> memref<400x64xf32, #tpu.memory_space<hbm>>
      tpu.enqueue_dma source(%arg12 : memref<400x64xf32, #tpu.memory_space<vmem>>) target(%dma_start3A_144 : memref<400x64xf32, #tpu.memory_space<hbm>>) target_semaphore(%arg24 : memref<!tpu.dma_semaphore, #tpu.memory_space<semaphore_mem>>)
      %lt3A_145 = arith.constant 15 : i32
      %lt3A_146 = arith.cmpi slt, %scan3A_46, %lt3A_145 : i32
      %convert_element_type3A_147 = arith.extui %lt3A_146 : i1 to i32
      %cond3A_148 = arith.constant 0 : i32
      %cond3A_149 = arith.cmpi ne, %convert_element_type3A_147, %cond3A_148 : i32
      scf.if %cond3A_149 {
        %add3A_150 = arith.constant 1600 : i32
        %add3A_151 = arith.addi %add3A_137, %add3A_150 : i32
        %dma_start3A_152 = tpu.memref_slice %arg2[%add3A_151] : memref<819200xi32, #tpu.memory_space<hbm>> -> memref<400xi32, #tpu.memory_space<hbm>>
        %dma_start3A_153 = tpu.memref_slice %arg2[%add3A_151] : memref<819200xi32, #tpu.memory_space<hbm>> -> memref<400xi32, #tpu.memory_space<hbm>>
        tpu.enqueue_dma source(%dma_start3A_153 : memref<400xi32, #tpu.memory_space<hbm>>) target(%arg8 : memref<400xi32, #tpu.memory_space<vmem>>) target_semaphore(%arg16 : memref<!tpu.dma_semaphore, #tpu.memory_space<semaphore_mem>>)
      } else {
      }
    }
    %scan3A_22 = arith.constant 16 : i32
    %add3A_23 = arith.constant 24000 : i32
    %add3A_24 = arith.addi %mul3A_2, %add3A_23 : i32
    %dma_wait3A = arith.constant 0 : i32
    %dma_wait3A_25 = tpu.memref_slice %arg4[%add3A_24, %dma_wait3A] : memref<819200x64xf32, #tpu.memory_space<hbm>> -> memref<400x64xf32, #tpu.memory_space<hbm>>
    %dma_wait3A_26 = arith.constant 0 : i32
    %dma_wait3A_27 = tpu.memref_slice %arg4[%add3A_24, %dma_wait3A_26] : memref<819200x64xf32, #tpu.memory_space<hbm>> -> memref<400x64xf32, #tpu.memory_space<hbm>>
    tpu.wait_dma2 semaphore(%arg21 : memref<!tpu.dma_semaphore, #tpu.memory_space<semaphore_mem>>) src(%arg9 : memref<400x64xf32, #tpu.memory_space<vmem>>) dst(%dma_wait3A_27 : memref<400x64xf32, #tpu.memory_space<hbm>>)
    %add3A_28 = arith.constant 24400 : i32
    %add3A_29 = arith.addi %mul3A_2, %add3A_28 : i32
    %dma_wait3A_30 = arith.constant 0 : i32
    %dma_wait3A_31 = tpu.memref_slice %arg4[%add3A_29, %dma_wait3A_30] : memref<819200x64xf32, #tpu.memory_space<hbm>> -> memref<400x64xf32, #tpu.memory_space<hbm>>
    %dma_wait3A_32 = arith.constant 0 : i32
    %dma_wait3A_33 = tpu.memref_slice %arg4[%add3A_29, %dma_wait3A_32] : memref<819200x64xf32, #tpu.memory_space<hbm>> -> memref<400x64xf32, #tpu.memory_space<hbm>>
    tpu.wait_dma2 semaphore(%arg22 : memref<!tpu.dma_semaphore, #tpu.memory_space<semaphore_mem>>) src(%arg10 : memref<400x64xf32, #tpu.memory_space<vmem>>) dst(%dma_wait3A_33 : memref<400x64xf32, #tpu.memory_space<hbm>>)
    %add3A_34 = arith.constant 24800 : i32
    %add3A_35 = arith.addi %mul3A_2, %add3A_34 : i32
    %dma_wait3A_36 = arith.constant 0 : i32
    %dma_wait3A_37 = tpu.memref_slice %arg4[%add3A_35, %dma_wait3A_36] : memref<819200x64xf32, #tpu.memory_space<hbm>> -> memref<400x64xf32, #tpu.memory_space<hbm>>
    %dma_wait3A_38 = arith.constant 0 : i32
    %dma_wait3A_39 = tpu.memref_slice %arg4[%add3A_35, %dma_wait3A_38] : memref<819200x64xf32, #tpu.memory_space<hbm>> -> memref<400x64xf32, #tpu.memory_space<hbm>>
    tpu.wait_dma2 semaphore(%arg23 : memref<!tpu.dma_semaphore, #tpu.memory_space<semaphore_mem>>) src(%arg11 : memref<400x64xf32, #tpu.memory_space<vmem>>) dst(%dma_wait3A_39 : memref<400x64xf32, #tpu.memory_space<hbm>>)
    %add3A_40 = arith.constant 25200 : i32
    %add3A_41 = arith.addi %mul3A_2, %add3A_40 : i32
    %dma_wait3A_42 = arith.constant 0 : i32
    %dma_wait3A_43 = tpu.memref_slice %arg4[%add3A_41, %dma_wait3A_42] : memref<819200x64xf32, #tpu.memory_space<hbm>> -> memref<400x64xf32, #tpu.memory_space<hbm>>
    %dma_wait3A_44 = arith.constant 0 : i32
    %dma_wait3A_45 = tpu.memref_slice %arg4[%add3A_41, %dma_wait3A_44] : memref<819200x64xf32, #tpu.memory_space<hbm>> -> memref<400x64xf32, #tpu.memory_space<hbm>>
    tpu.wait_dma2 semaphore(%arg24 : memref<!tpu.dma_semaphore, #tpu.memory_space<semaphore_mem>>) src(%arg12 : memref<400x64xf32, #tpu.memory_space<vmem>>) dst(%dma_wait3A_45 : memref<400x64xf32, #tpu.memory_space<hbm>>)
    return
  }
}

</mosaic_0001>

<sc_bundles>
// kernel: kernel.3.cloned.1.call-start
scs
__scs_entry_jumppad:
0x0: {  	(pc) =	sbr.rel $0x88, $3  }
0x1: {  	(tag) =	ssettag $0x0;
	lr =	simm.s32 $0x1  }
0x2: {  	[smem:$0x3F9F] =	sst lr;
	_ =	strace $0xD0000000  }
0x3: {  	_ = 	snop  }
0x4: {  	_ = 	snop  }
0x5: {  	_ = 	snop  }
0x6: {  	_ = 	snop  }
0x7: {  	_ = 	snop  }
__scs_overlays_trampoline_lowered:
0x8: {  	[smem:$0x3FAE] =	sst s0  }
0x9: {  	[smem:$0x3FAF] =	sst s1  }
0xa: {  	[smem:$0x3FB0] =	sst s2  }
0xb: {  	[smem:$0x3FB1] =	sst s3  }
0xc: {  	[smem:$0x3FB2] =	sst s4  }
0xd: {  	[smem:$0x3FB3] =	sst s5  }
0xe: {  	[smem:$0x3FB4] =	sst s6  }
0xf: {  	[smem:$0x3FB5] =	sst s7  }
0x10: {  	[smem:$0x3FB6] =	sst s8  }
0x11: {  	[smem:$0x3FB7] =	sst s9;
	s0 =	simm.s32 @!p0 $0x0  }
0x12: {  	s1 =	sld [smem:$0x3F9D];
	s0 =	simm.s32 @p0 $0x1  }
0x13: {  	[smem:$0x3FB8] =	sst s0;
	s0 =	simm.s32 @!p1 $0x0  }
0x14: {  	s2 =	sld [smem:$0x3F9C];
	s0 =	simm.s32 @p1 $0x1  }
0x15: {  	[smem:$0x3FB9] =	sst s0;
	s0 =	simm.s32 @!p2 $0x0  }
0x16: {  	s3 =	sld [smem:$0x3FDB];
	s0 =	simm.s32 @p2 $0x1  }
0x17: {  	s4 =	simm.s32 $0x1BF5;
	[smem:$0x3FBB] =	sst s0  }
0x18: {  	s0 =	sld [smem:$0x3F9E];
	_ =	swait.ge [sflag:s4], $0x0  }
0x19: {  	s7 =	sld [smem:$0x3F9F]  }
0x1a: {  	s8 =	sadd.s32 $0xFFFFE003, lr  }
0x1b: {  	s9 =	sadd.s32 $0xFFFFFEF7, lr;
	s5 =	simm.s32 $0xFFFFFFFF;
	p2 =	slt.u32 s8, $0xFFFFF086  }
0x1c: {  	p1 =	slt.u32 s9, $0xF7A;
	s5 =	simm.s32 @!p2 $0x0  }
0x1d: {  	s5 =	simm.s32 @p1 $0x1;
	p0 =	seq.s32 s7, s2  }
0x1e: {  	s7 =	smul.u32 @!p0 $0xF7A, s2;
	p2 =	seq.s32 @!p0 s5, $0x0  }
0x1f: {  	s9 =	smul.u32 $0xF7A, s1;
	s8 =	simm.s32 @!p0 $0x1BF5;
	p2 =	por !p2, p0  }
0x20: {  	[sflag:s8] =	ssyncset.s32 @!p0 $0xFFFFF086;
	s6 =	sadd.s32 @!p0 s3, s7;
	s7 =	simm.s32 @!p0 $0x108  }
0x21: {  	s3 =	sadd.s32 s3, s9;
	s6 =	sadd.s32 @!p0 $0x88, s6;
	s7 =	simm.s32 @p2 $0x1082  }
0x22: {  	[simem:s7], [sflag:s8] =	dma.local @!p0 [hbm:s6], $0xF7A  }
0x23: {  	s9 =	sor.u32 $0xD0000000, s2;
	s6 =	simm.s32 $0x108;
	_ =	swait.ge @!p0 [sflag:s8], $0x0  }
0x24: {  	s3 =	sadd.s32 $0x88, s3;
	s6 =	simm.s32 @!p1 $0x1082;
	[sflag:s4] =	ssyncset.s32 $0xFFFFF086  }
0x25: {  	[simem:s6], [sflag:s4] =	dma.local [hbm:s3], $0xF7A  }
0x26: {  	[smem:$0x3F9F] =	sst s1;
	(tag) =	ssettag s2;
	_ =	strace s9  }
0x27: {  	s1 =	sld [smem:$0x3FAF]  }
0x28: {  	s2 =	sld [smem:$0x3FB0]  }
0x29: {  	s4 =	sld [smem:$0x3FB2]  }
0x2a: {  	p0 =	seq.s32 s5, $0x0;
	s5 =	sld [smem:$0x3FB3]  }
0x2b: {  	s6 =	sld [smem:$0x3FB4]  }
0x2c: {  	s7 =	sld [smem:$0x3FB5]  }
0x2d: {  	s3 =	simm.s32 $0x108;
	s8 =	sld [smem:$0x3FB6]  }
0x2e: {  	s3 =	simm.s32 @!p0 $0x1082;
	s9 =	sld [smem:$0x3FB7]  }
0x2f: {  	lr =	sadd.s32 s0, s3;
	s0 =	sld [smem:$0x3FAE]  }
0x30: {  	s3 =	sld [smem:$0x3FB1]  }
0x31: {  	[smem:$0x3FBA] =	sst s10  }
0x32: {  	s10 =	sld [smem:$0x3FB8];
	_ =	sdelay $0x3  }
0x33: {  	p0 =	seq.s32 s10, $0x1;
	s10 =	sld [smem:$0x3FBA];
	_ =	sdelay $0x3  }
0x34: {  	[smem:$0x3FBA] =	sst s10  }
0x35: {  	s10 =	sld [smem:$0x3FB9];
	_ =	sdelay $0x3  }
0x36: {  	p1 =	seq.s32 s10, $0x1;
	s10 =	sld [smem:$0x3FBA];
	_ =	sdelay $0x3  }
0x37: {  	[smem:$0x3FBA] =	sst s10  }
0x38: {  	s10 =	sld [smem:$0x3FBB]  }
0x39: {  	_ = 	snop;
	(pc) =	sbr.ind lr, $3  }
0x3a: {  	_ = 	snop  }
0x3b: {  	_ = 	snop  }
0x3c: {  	p2 =	seq.s32 s10, $0x1;
	s10 =	sld [smem:$0x3FBA]  }
0x3d: {  	_ =	shalt  }
0x3e: {  	_ =	shalt  }
0x3f: {  	_ =	shalt  }
0x40: {  	_ =	shalt  }
0x41: {  	_ =	shalt  }
0x42: {  	_ =	shalt  }
0x43: {  	_ =	shalt  }
0x44: {  	_ =	shalt  }
0x45: {  	_ =	shalt  }
0x46: {  	_ =	shalt  }
0x47: {  	_ =	shalt  }
0x48: {  	_ =	shalt  }
0x49: {  	_ =	shalt  }
0x4a: {  	_ =	shalt  }
0x4b: {  	_ =	shalt  }
0x4c: {  	_ =	shalt  }
0x4d: {  	_ =	shalt  }
0x4e: {  	_ =	shalt  }
0x4f: {  	_ =	shalt  }
0x50: {  	_ =	shalt  }
0x51: {  	_ =	shalt  }
0x52: {  	_ =	shalt  }
0x53: {  	_ =	shalt  }
0x54: {  	_ =	shalt  }
0x55: {  	_ =	shalt  }
0x56: {  	_ =	shalt  }
0x57: {  	_ =	shalt  }
0x58: {  	_ =	shalt  }
0x59: {  	_ =	shalt  }
0x5a: {  	_ =	shalt  }
0x5b: {  	_ =	shalt  }
0x5c: {  	_ =	shalt  }
0x5d: {  	_ =	shalt  }
0x5e: {  	_ =	shalt  }
0x5f: {  	_ =	shalt  }
0x60: {  	_ =	shalt  }
0x61: {  	_ =	shalt  }
0x62: {  	_ =	shalt  }
0x63: {  	_ =	shalt  }
0x64: {  	_ =	shalt  }
0x65: {  	_ =	shalt  }
0x66: {  	_ =	shalt  }
0x67: {  	_ =	shalt  }
0x68: {  	_ =	shalt  }
0x69: {  	_ =	shalt  }
0x6a: {  	_ =	shalt  }
0x6b: {  	_ =	shalt  }
0x6c: {  	_ =	shalt  }
0x6d: {  	_ =	shalt  }
0x6e: {  	_ =	shalt  }
0x6f: {  	_ =	shalt  }
0x70: {  	_ =	shalt  }
0x71: {  	_ =	shalt  }
0x72: {  	_ =	shalt  }
0x73: {  	_ =	shalt  }
0x74: {  	_ =	shalt  }
0x75: {  	_ =	shalt  }
0x76: {  	_ =	shalt  }
0x77: {  	_ =	shalt  }
0x78: {  	_ =	shalt  }
0x79: {  	_ =	shalt  }
0x7a: {  	_ =	shalt  }
0x7b: {  	_ =	shalt  }
0x7c: {  	_ =	shalt  }
0x7d: {  	_ =	shalt  }
0x7e: {  	_ =	shalt  }
0x7f: {  	_ =	shalt  }
0x80: {  	_ =	shalt  }
0x81: {  	_ =	shalt  }
0x82: {  	_ =	shalt  }
0x83: {  	_ =	shalt  }
0x84: {  	_ =	shalt  }
0x85: {  	_ =	shalt  }
0x86: {  	_ =	shalt  }
0x87: {  	_ =	shalt  }
.Lfunc_end0:
.L_simem_size_0:
called_computation.1_lowered:
.L_overlay_start_0:
0x88: {  	s2 =	sld [smem:$0x3FD9]  }
0x89: {  	s3 =	sld [smem:$0x3FFE];
	_ =	sdelay $0x1  }
0x8a: {  	s1 =	srdreg.scid  }
0x8b: {  	s0 =	sand.u32 $0x1, s1  }
0x8c: {  	s17 =	sshll.u32 s0, $0xA;
	s2 =	sadd.s32 s3, s2  }
0x8d: {  	s2 =	sadd.s32 s2, s17  }
0x8e: {  	[smem:$0x3FC6] =	sst s2  }
0x8f: {  	_ = 	snop  }
0x90: {  	s2 =	sld [smem:$0x3FD0];
	(tm) =	ssettm $0x1  }
0x91: {  	s18 =	sld [smem:$0x3FFB];
	_ =	sdelay $0x3  }
0x92: {  	_ =	strace s18  }
0x93: {  	s3 =	sld [smem:$0x3FFC];
	_ =	sdelay $0x3  }
0x94: {  	_ =	strace s3  }
0x95: {  	s3 =	sld [smem:$0x3FFD];
	_ =	sdelay $0x3  }
0x96: {  	_ =	strace s3  }
0x97: {  	_ =	strace $0x8FFFFFFF  }
0x98: {  	s19 =	sld [smem:$0x3FDB];
	_ =	sdelay $0x1  }
0x99: {  	s4 =	simm.s32 $_scs_section_size  }
0x9a: {  	s5 =	simm.s32 $_size__tile_overlayer_lowered;
	s6 =	simm.s32 $_tile_overlayer_lowered  }
0x9b: {  	s22 =	simm.s32 $0x1BFF;
	s21 =	sshll.u32 s6, $0x1;
	s3 =	sadd.s32 s4, s19  }
0x9c: {  	s7 =	simm.s32 $0x0;
	s20 =	sshll.u32 s5, $0x1;
	s5 =	sadd.s32 s21, s3  }
0x9d: {  	[timem:s7], [sflag:s22] =	dma.local [hbm:s5], s20  }
0x9e: {  	_ =	swait.ge [sflag:s22], s20  }
0x9f: {  	s4 =	ssub.s32 $0x0, s20;
	[sflag:s22] =	ssyncset.done $0x0  }
0xa0: {  	[sflag:s22] =	ssyncadd.s32 s4;
	_ =	sdelay $0x1  }
0xa1: {  	s23 =	simm.s32 $0x1B8B  }
0xa2: {  	_ =	swait.ge [sflag:s23], $0x1  }
0xa3: {  	[sflag:s23] =	ssyncset.done $0x0  }
0xa4: {  	s25 =	simm.s32 $0x1B8E;
	s24 =	sld [smem:$0x3FFE];
	[sflag:s23] =	ssyncadd.s32 $0xFFFFFFFF  }
0xa5: {  	s26 =	simm.s32 $execute0_lowered;
	[smem:$0x3FD2] =	sst s25  }
0xa6: {  	s5 =	sshll.u32 s26, $0x1;
	_ =	strace $0x80000046;
	[dreg:$0x1] =	wrdreg $0xFFFFFFFF  }
0xa7: {  	s28 =	simm.s32 $_size_execute0_lowered;
	s3 =	sadd.s32 s3, s5;
	[dreg:$0x0] =	wrdreg $0x0  }
0xa8: {  	s5 =	sshll.u32 s28, $0x1;
	[dreg:$0x2] =	wrdreg s3  }
0xa9: {  	[dreg:$0x3] =	wrdreg s5  }
0xaa: {  	[dreg:$0x4] =	wrdreg $0xC0  }
0xab: {  	_ =	task [dreg:s7], $0x5FFFF  }
0xac: {  	[dreg:$0x1] =	wrdreg $0xFFFFFFFF  }
0xad: {  	[dreg:$0x0] =	wrdreg $0x60  }
0xae: {  	[dreg:$0x2] =	wrdreg s24  }
0xaf: {  	[dreg:$0x3] =	wrdreg s2  }
0xb0: {  	[dreg:$0x4] =	wrdreg $0x9  }
0xb1: {  	_ =	task.clear_ibuf [dreg:s7], $0x5FFFF;
	_ =	strace $0x90000046  }
0xb2: {  	s29 =	simm.s32 $0x9;
	_ =	strace $0x80000048  }
0xb3: {  	_ =	swait.ge [sflag:s29], $0x1  }
0xb4: {  	[sflag:s29] =	ssyncadd.s32 $0xFFFFFFFF  }
0xb5: {  	_ =	strace $0x90000048  }
0xb6: {  	_ =	sfence  }
0xb7: {  	s30 =	sld [smem:$0x0];
	_ =	sdelay $0x2  }
0xb8: {  	s31 =	sshll.u32 s1, $0xD;
	s1 =	sshrl.u32 s1, $0x2  }
0xb9: {  	s3 =	sand.u32 $0x4000, s31;
	s1 =	sadd.s32 s1, s30  }
0xba: {  	s0 =	sor.u32 s3, s0;
	s1 =	sshll.u32 s1, $0x11  }
0xbb: {  	s0 =	sor.u32 s1, s0  }
0xbc: {  	s0 =	sadd.s32 $0x8F2B, s0  }
0xbd: {  	[sflag:s0] =	ssyncadd.remote.s32 $0x1  }
0xbe: {  	_ =	sfence.sel $0xFFFF  }
0xbf: {  	[dreg:$0x0] =	wrdreg $0xFFFFFFFF;
	(pc) =	sbr.abs _section_cstart, $3  }
0xc0: {  	[dreg:$0x1] =	wrdreg $0xFFFFFFFF  }
0xc1: {  	_ =	task.clear_ibuf [dreg:s7], $0x2FFFF;
	_ =	strace $0x9FFFFFFF  }
0xc2: {  	(tm) =	ssettm $0x7FFFFFFF  }
0xc3: {  	_ =	shalt  }
tec
execute0_lowered:
.L_overlay_start_1:
0x0: {  	(tag) =	ssettag $0x1  }
0x1: {  	s0 =	rddreg [dreg:$0x0]  }
0x2: {  	s1 =	rddreg [dreg:$0x1]  }
0x3: {  	s3 =	srdreg.scid;
	s10 =	stileid.u32;
	s2 =	simm.s32 $0x0  }
0x4: {  	s15 =	simm.s32 $0x190;
	s28 =	simm.s32 $0x9;
	s29 =	simm.s32 $0xA  }
0x5: {  	s30 =	simm.s32 $0xB;
	s31 =	simm.s32 $0xC;
	s17 =	smul.u32 $0x64000, s10  }
0x6: {  	s5 =	sand.u32 $0x1, s3;
	s16 =	sshll.u32 s10, $0x1;
	s18 =	smul.u32 $0xC800, s10  }
0x7: {  	[smem:$0x7FF] =	sst s2;
	s4 =	sadd.s32 $0xF42E00, s0;
	s8 =	smul.u32 $0x32000, s5  }
0x8: {  	s3 =	sor.u32 s5, s16;
	s7 =	ssub.s32 $0x2, s5;
	s5 =	smul.u32 $0x6400, s5  }
0x9: {  	_ =	strace $0x80000047;
	s16 =	simm.s32 $0x320;
	s6 =	smul.u32 $0x6400, s3  }
0xa: {  	s3 =	sadd.s32 $0xA00, s0;
	s9 =	sshrl.u32 s7, $0x1;
	s0 =	sadd.s32 s17, s1  }
0xb: {  	s17 =	simm.s32 $0x4B0;
	s7 =	ssub.s32 s7, s9;
	s10 =	sadd.s32 s8, s0  }
0xc: {  	s23 =	sadd.s32 s5, s18;
	s18 =	simm.s32 $0x1;
	s0 =	simm.s32 $0x0  }
0xd: {  	s6 =	sshrl.u32 s6, $0x3;
	s22 =	smax.u32 s7, $0x1;
	s24 =	sadd.s32 $0xAF0, s23  }
0xe: {  	s5 =	sadd.s32 $0x960, s23;
	s11 =	sadd.s32 s3, s6;
	[dreg:$0x7] =	wrdreg s22  }
0xf: {  	s6 =	sadd.s32 $0x7D0, s23;
	s19 =	sadd.s32 $0x32, s11;
	[dreg:$0x3] =	wrdreg s11  }
0x10: {  	s1 =	sshrl.u32 s24, $0x3;
	s20 =	sadd.s32 $0x64, s11;
	[dreg:$0x4] =	wrdreg s19  }
0x11: {  	s5 =	sshrl.u32 s5, $0x3;
	s21 =	sadd.s32 $0x96, s11;
	[dreg:$0x5] =	wrdreg s20  }
0x12: {  	s22 =	simm.s32 $0x5;
	s1 =	sadd.s32 s1, s3;
	[dreg:$0x6] =	wrdreg s21  }
.Ltmp0:
0x13: {  	s25 =	sadd.s32 s5, s3;
	[dreg:$0x8] =	wrdreg s1;
	(pc) =	sbr.rel .LBB2_1-.Ltmp0, $4  }
0x14: {  	s24 =	simm.s32 $0x7;
	s6 =	sshrl.u32 s6, $0x3;
	[dreg:$0x9] =	wrdreg s25  }
0x15: {  	s26 =	sadd.s32 s6, s3;
	s1 =	sadd.s32 $0x640, s23;
	s19 =	simm.s32 $0x6A40  }
0x16: {  	s20 =	simm.s32 $0x3;
	s21 =	simm.s32 $0x13240;
	s23 =	simm.s32 $0x640  }
0x17: {  	s25 =	simm.s32 $0xCE40;
	[dreg:$0xa] =	wrdreg s26;
	s26 =	simm.s32 $0x8  }
.LBB2_4:
0x18: {  	_ =	swait.ge [sflag:s26], $0x6400  }
0x19: {  	[sflag:s26] =	ssyncset.done $0x0  }
0x1a: {  	[sflag:s26] =	ssyncadd.s32 $0xFFFF9C00  }
0x1b: {  	[hbm4b:s5+s2] =	stream.linear.scatter [tilespmem:s21], [sflag:$0xC], $0x6400, $0x38;
	[tilespmem:$0x19640] =	vst v63  }
0x1c: {  	_ =	swait.ge [sflag:s28], $0x6400  }
0x1d: {  	[sflag:s28] =	ssyncset.done $0x0  }
0x1e: {  	[sflag:s28] =	ssyncadd.s32 $0xFFFF9C00  }
0x1f: {  	_ =	swait.ge [sflag:s29], $0x6400  }
0x20: {  	[sflag:s29] =	ssyncset.done $0x0  }
0x21: {  	[sflag:s29] =	ssyncadd.s32 $0xFFFF9C00  }
0x22: {  	_ =	swait.ge [sflag:s30], $0x6400  }
0x23: {  	[sflag:s30] =	ssyncset.done $0x0  }
0x24: {  	[sflag:s30] =	ssyncadd.s32 $0xFFFF9C00  }
0x25: {  	_ =	swait.ge [sflag:s31], $0x6400  }
0x26: {  	s0 =	sadd.s32 $0x1, s0;
	s14 =	rddreg [dreg:$0x7]  }
0x27: {  	p0 =	sne.s32 s0, s14  }
.Ltmp1:
0x28: {  	_ = 	snop;
	(pc) =	sbr.rel @!p0 .LBB2_5-.Ltmp1, $3  }
0x29: {  	_ =	sdelay $0x1  }
0x2a: {  	[sflag:s31] =	ssyncset.done $0x0  }
0x2b: {  	[sflag:s31] =	ssyncadd.s32 $0xFFFF9C00  }
.LBB2_1:
0x2c: {  	s5 =	rddreg [dreg:$0x3]  }
0x2d: {  	s12 =	rddreg [dreg:$0x4]  }
0x2e: {  	s13 =	rddreg [dreg:$0x5]  }
0x2f: {  	[tilespmem:s2], [sflag:$0x1] =	stream.linear.gather [hbm4b:s5+s2], $0x190, $0x38;
	[tilespmem:$0x19640] =	vst v63  }
0x30: {  	s14 =	rddreg [dreg:$0x6]  }
0x31: {  	[tilespmem:s15], [sflag:$0x2] =	stream.linear.gather [hbm4b:s12+s2], $0x190, $0x38;
	[tilespmem:$0x19640] =	vst v63  }
0x32: {  	s11 =	rddreg [dreg:$0x8]  }
0x33: {  	[tilespmem:s16], [sflag:$0x3] =	stream.linear.gather [hbm4b:s13+s2], $0x190, $0x38;
	[tilespmem:$0x19640] =	vst v63  }
0x34: {  	s12 =	rddreg [dreg:$0x9]  }
0x35: {  	[tilespmem:s17], [sflag:$0x4] =	stream.linear.gather [hbm4b:s14+s2], $0x190, $0x38;
	[tilespmem:$0x19640] =	vst v63  }
0x36: {  	s9 =	simm.s32 $0x0;
	s13 =	rddreg [dreg:$0xa];
	s14 =	smov.u32 s1  }
.LBB2_2:
0x37: {  	_ =	swait.ge [sflag:s18], $0x190;
	p0 =	seq.s32 s9, $0x0  }
0x38: {  	[sflag:s18] =	ssyncset.done $0x0;
	s5 =	simm.s32 @p0 $0x190  }
0x39: {  	s8 =	simm.s32 @p0 $0x0;
	s7 =	simm.s32 @p0 $0x640;
	[sflag:s18] =	ssyncadd.s32 $0xFFFFFE70  }
0x3a: {  	[tilespmem:s7], [sflag:$0x5] =	stream.indirect.gather @p0 [hbm4b:s4+s5], $0x40, s8, s5, $0xb8;
	[tilespmem:$0x19640] =	vst v63  }
0x3b: {  	s7 =	simm.s32 @p0 $0x2  }
0x3c: {  	_ =	swait.ge @p0 [sflag:s7], $0x190  }
0x3d: {  	[sflag:s7] =	ssyncset.done @p0 $0x0  }
0x3e: {  	[sflag:s7] =	ssyncadd.s32 @p0 $0xFFFFFE70;
	s7 =	simm.s32 @!p0 $0x9  }
0x3f: {  	_ =	swait.ge @!p0 [sflag:s7], $0x6400  }
0x40: {  	s6 =	simm.s32 @!p0 $0x640;
	[sflag:s7] =	ssyncset.done @!p0 $0x0  }
0x41: {  	s8 =	simm.s32 @!p0 $0x0;
	[sflag:s7] =	ssyncadd.s32 @!p0 $0xFFFF9C00;
	s7 =	simm.s32 @!p0 $0x190  }
0x42: {  	[tilespmem:s6], [sflag:$0x5] =	stream.indirect.gather @!p0 [hbm4b:s4+s7], $0x40, s8, s7, $0xb8;
	[tilespmem:$0x19640] =	vst v63  }
0x43: {  	s6 =	simm.s32 @!p0 $0x2  }
0x44: {  	_ =	swait.ge @!p0 [sflag:s6], $0x190  }
0x45: {  	[sflag:s6] =	ssyncset.done @!p0 $0x0  }
0x46: {  	[sflag:s6] =	ssyncadd.s32 @!p0 $0xFFFFFE70;
	s6 =	simm.s32 @!p0 $0xA  }
0x47: {  	_ =	swait.ge @!p0 [sflag:s6], $0x6400  }
0x48: {  	[sflag:s6] =	ssyncset.done @!p0 $0x0  }
0x49: {  	[sflag:s6] =	ssyncadd.s32 @!p0 $0xFFFF9C00  }
0x4a: {  	[tilespmem:s19], [sflag:$0x6] =	stream.indirect.gather [hbm4b:s4+s15], $0x40, s15, s15, $0xb8;
	[tilespmem:$0x19640] =	vst v63  }
0x4b: {  	_ =	swait.ge [sflag:s20], $0x190  }
0x4c: {  	[sflag:s20] =	ssyncset.done $0x0  }
0x4d: {  	s8 =	simm.s32 @p0 $0xCE40;
	s6 =	simm.s32 @p0 $0x320;
	[sflag:s20] =	ssyncadd.s32 $0xFFFFFE70  }
0x4e: {  	[tilespmem:s8], [sflag:$0x7] =	stream.indirect.gather @p0 [hbm4b:s4+s5], $0x40, s6, s5, $0xb8;
	[tilespmem:$0x19640] =	vst v63  }
0x4f: {  	s5 =	simm.s32 @p0 $0x4  }
0x50: {  	_ =	swait.ge @p0 [sflag:s5], $0x190  }
0x51: {  	[sflag:s5] =	ssyncset.done @p0 $0x0  }
0x52: {  	[sflag:s5] =	ssyncadd.s32 @p0 $0xFFFFFE70;
	s5 =	simm.s32 @!p0 $0xB  }
0x53: {  	_ =	swait.ge @!p0 [sflag:s5], $0x6400  }
0x54: {  	[sflag:s5] =	ssyncset.done @!p0 $0x0  }
0x55: {  	s6 =	simm.s32 @!p0 $0xCE40;
	[sflag:s5] =	ssyncadd.s32 @!p0 $0xFFFF9C00;
	s5 =	simm.s32 @!p0 $0x320  }
0x56: {  	[tilespmem:s6], [sflag:$0x7] =	stream.indirect.gather @!p0 [hbm4b:s4+s7], $0x40, s5, s7, $0xb8;
	[tilespmem:$0x19640] =	vst v63  }
0x57: {  	s5 =	simm.s32 @!p0 $0x4  }
0x58: {  	_ =	swait.ge @!p0 [sflag:s5], $0x190  }
0x59: {  	[sflag:s5] =	ssyncset.done @!p0 $0x0  }
0x5a: {  	[sflag:s5] =	ssyncadd.s32 @!p0 $0xFFFFFE70;
	s5 =	simm.s32 @!p0 $0xC  }
0x5b: {  	_ =	swait.ge @!p0 [sflag:s5], $0x6400  }
0x5c: {  	[sflag:s5] =	ssyncset.done @!p0 $0x0  }
0x5d: {  	[sflag:s5] =	ssyncadd.s32 @!p0 $0xFFFF9C00  }
0x5e: {  	[tilespmem:s21], [sflag:$0x8] =	stream.indirect.gather [hbm4b:s4+s15], $0x40, s17, s15, $0xb8;
	[tilespmem:$0x19640] =	vst v63  }
0x5f: {  	_ =	swait.ge [sflag:s22], $0x6400  }
0x60: {  	p0 =	seq.s32 s9, $0x2EE00;
	[sflag:s22] =	ssyncset.done $0x0  }
0x61: {  	s5 =	sadd.s32 s9, s10;
	s6 =	simm.s32 @p0 $0x6;
	[sflag:s22] =	ssyncadd.s32 $0xFFFF9C00  }
0x62: {  	[hbm4b:s5+s2] =	stream.linear.scatter [tilespmem:s23], [sflag:$0x9], $0x6400, $0x38;
	[tilespmem:$0x19640] =	vst v63  }
0x63: {  	_ =	swait.ge @p0 [sflag:s6], $0x6400  }
0x64: {  	[sflag:s6] =	ssyncset.done @p0 $0x0  }
0x65: {  	[sflag:s6] =	ssyncadd.s32 @p0 $0xFFFF9C00;
	s6 =	sadd.s32 @p0 s9, s10  }
0x66: {  	s7 =	simm.s32 @p0 $0x0;
	s8 =	simm.s32 @p0 $0x6A40;
	s6 =	sadd.s32 @p0 $0xC80, s6  }
0x67: {  	[hbm4b:s6+s7] =	stream.linear.scatter @p0 [tilespmem:s8], [sflag:$0xA], $0x6400, $0x38;
	[tilespmem:$0x19640] =	vst v63  }
0x68: {  	s6 =	sshrl.u32 @!p0 s14, $0x3  }
0x69: {  	s7 =	simm.s32 @!p0 $0x0;
	s6 =	sadd.s32 @!p0 s3, s6  }
0x6a: {  	[tilespmem:s7], [sflag:$0x1] =	stream.linear.gather @!p0 [hbm4b:s6+s7], $0x190, $0x38;
	[tilespmem:$0x19640] =	vst v63  }
0x6b: {  	s6 =	simm.s32 @!p0 $0x6  }
0x6c: {  	_ =	swait.ge @!p0 [sflag:s6], $0x6400  }
0x6d: {  	s8 =	sadd.s32 @!p0 s9, s10;
	[sflag:s6] =	ssyncset.done @!p0 $0x0  }
0x6e: {  	[sflag:s6] =	ssyncadd.s32 @!p0 $0xFFFF9C00;
	s6 =	sadd.s32 @!p0 $0xC80, s8;
	s8 =	simm.s32 @!p0 $0x6A40  }
0x6f: {  	[hbm4b:s6+s7] =	stream.linear.scatter @!p0 [tilespmem:s8], [sflag:$0xA], $0x6400, $0x38;
	[tilespmem:$0x19640] =	vst v63  }
0x70: {  	s6 =	simm.s32 @!p0 $0x190  }
0x71: {  	[tilespmem:s6], [sflag:$0x2] =	stream.linear.gather @!p0 [hbm4b:s13+s7], $0x190, $0x38;
	[tilespmem:$0x19640] =	vst v63  }
.Ltmp2:
0x72: {  	_ = 	snop;
	(pc) =	sbr.rel @p0 .LBB2_4-.Ltmp2, $4  }
0x73: {  	_ =	swait.ge [sflag:s24], $0x6400  }
0x74: {  	[sflag:s24] =	ssyncset.done $0x0  }
0x75: {  	s8 =	sadd.s32 $0x1900, s5;
	s5 =	sadd.s32 $0x2580, s5;
	[sflag:s24] =	ssyncadd.s32 $0xFFFF9C00  }
0x76: {  	[hbm4b:s8+s2] =	stream.linear.scatter [tilespmem:s25], [sflag:$0xB], $0x6400, $0x38;
	[tilespmem:$0x19640] =	vst v63  }
0x77: {  	[tilespmem:s16], [sflag:$0x3] =	stream.linear.gather [hbm4b:s12+s2], $0x190, $0x38;
	[tilespmem:$0x19640] =	vst v63  }
0x78: {  	_ =	swait.ge [sflag:s26], $0x6400  }
0x79: {  	[sflag:s26] =	ssyncset.done $0x0  }
.Ltmp3:
0x7a: {  	[sflag:s26] =	ssyncadd.s32 $0xFFFF9C00;
	(pc) =	sbr.rel .LBB2_2-.Ltmp3, $4  }
0x7b: {  	[hbm4b:s5+s2] =	stream.linear.scatter [tilespmem:s21], [sflag:$0xC], $0x6400, $0x38;
	[tilespmem:$0x19640] =	vst v63  }
0x7c: {  	s9 =	sadd.s32 $0x3200, s9;
	s12 =	sadd.s32 $0xC8, s12  }
0x7d: {  	[tilespmem:s17], [sflag:$0x4] =	stream.linear.gather [hbm4b:s11+s2], $0x190, $0x38;
	[tilespmem:$0x19640] =	vst v63  }
0x7e: {  	s13 =	sadd.s32 $0xC8, s13;
	s14 =	sadd.s32 $0x640, s14;
	s11 =	sadd.s32 $0xC8, s11  }
.LBB2_5:
0x7f: {  	_ =	sfence.sel $0x180000  }
0x80: {  	[bflag:$0x0] =	sbarrier.arrive $0xFFFF  }
0x81: {  	_ =	strace $0x90000047  }
0x82: {  	s0 =	stileid.u32;
	[bflag:$0x2] =	sbarrier.arrive $0xFFFF  }
0x83: {  	p0 =	sne.s32 s0, $0x0;
	s0 =	rddreg [dreg:$0x2]  }
0x84: {  	s0 =	sadd.s32 @!p0 $0x100000, s0  }
0x85: {  	[sflag:s0] =	ssyncadd.tile.s32 @!p0 $0x1;
	_ =	shalt  }
.Lfunc_end2:
_tile_overlayer_lowered:
.L_overlay_start_2:
0x86: {  	(tag) =	ssettag $0x2  }
0x87: {  	s0 =	rddreg [dreg:$0x0];
	s2 =	stileid.u32  }
0x88: {  	s1 =	rddreg [dreg:$0x1];
	p0 =	sne.s32 s2, $0x0  }
0x89: {  	s3 =	rddreg [dreg:$0x2];
	[bflag:$0x3] =	sbarrier.arrive $0xFFFF;
	s2 =	simm.s32 @!p0 $0x1C0D  }
0x8a: {  	[timem:s3], [sflag:s2] =	dma.local @!p0 [hbm:s0], s1  }
0x8b: {  	s0 =	simm.s32 @!p0 $0xD  }
0x8c: {  	_ =	swait.ge @!p0 [sflag:s0], s1  }
0x8d: {  	s1 =	ssub.s32 @!p0 $0x0, s1;
	[sflag:s0] =	ssyncset.done @!p0 $0x0  }
0x8e: {  	[sflag:s0] =	ssyncadd.s32 @!p0 s1  }
0x8f: {  	[bflag:$0x3] =	sbarrier.arrive $0xFFFF  }
0x90: {  	_ =	shalt  }

// kernel: sparse-core-data-format-call.cloned.1.call-start
scs
called_computation_lowered:
.L_overlay_start_0:
0x0: {  	s2 =	sld [smem:$0x3FD9]  }
0x1: {  	s3 =	sld [smem:$0x3FFE];
	_ =	sdelay $0x1  }
0x2: {  	s1 =	srdreg.scid  }
0x3: {  	s0 =	sand.u32 $0x1, s1  }
0x4: {  	s18 =	sshll.u32 s0, $0xA;
	s2 =	sadd.s32 s3, s2  }
0x5: {  	s2 =	sadd.s32 s2, s18  }
0x6: {  	[smem:$0x3FC6] =	sst s2  }
0x7: {  	_ = 	snop  }
0x8: {  	s2 =	sld [smem:$0x3FD0];
	(tm) =	ssettm $0x1  }
0x9: {  	s19 =	sld [smem:$0x3FFB];
	_ =	sdelay $0x3  }
0xa: {  	_ =	strace s19  }
0xb: {  	s3 =	sld [smem:$0x3FFC];
	_ =	sdelay $0x3  }
0xc: {  	_ =	strace s3  }
0xd: {  	s3 =	sld [smem:$0x3FFD];
	_ =	sdelay $0x3  }
0xe: {  	_ =	strace s3  }
0xf: {  	_ =	strace $0x8FFFFFFF  }
0x10: {  	s20 =	sld [smem:$0x3FDB];
	_ =	sdelay $0x1  }
0x11: {  	s4 =	simm.s32 $_scs_section_size  }
0x12: {  	s5 =	simm.s32 $_size__tile_overlayer_lowered;
	s6 =	simm.s32 $_tile_overlayer_lowered  }
0x13: {  	s23 =	simm.s32 $0x1BFF;
	s22 =	sshll.u32 s6, $0x1;
	s3 =	sadd.s32 s4, s20  }
0x14: {  	s7 =	simm.s32 $0x0;
	s21 =	sshll.u32 s5, $0x1;
	s5 =	sadd.s32 s22, s3  }
0x15: {  	[timem:s7], [sflag:s23] =	dma.local [hbm:s5], s21  }
0x16: {  	_ =	swait.ge [sflag:s23], s21  }
0x17: {  	s4 =	ssub.s32 $0x0, s21;
	[sflag:s23] =	ssyncset.done $0x0  }
0x18: {  	[sflag:s23] =	ssyncadd.s32 s4;
	_ =	sdelay $0x1  }
0x19: {  	s24 =	simm.s32 $0x1B8B  }
0x1a: {  	_ =	swait.ge [sflag:s24], $0x1  }
0x1b: {  	[sflag:s24] =	ssyncset.done $0x0  }
0x1c: {  	s26 =	simm.s32 $0x1B8E;
	s25 =	sld [smem:$0x3FFE];
	[sflag:s24] =	ssyncadd.s32 $0xFFFFFFFF  }
0x1d: {  	s27 =	simm.s32 $execute0_lowered;
	[smem:$0x3FD2] =	sst s26  }
0x1e: {  	s5 =	sshll.u32 s27, $0x1;
	_ =	strace $0x80000049;
	[dreg:$0x1] =	wrdreg $0xFFFFFFFF  }
0x1f: {  	s28 =	simm.s32 $_size_execute0_lowered;
	s3 =	sadd.s32 s3, s5;
	[dreg:$0x0] =	wrdreg $0x0  }
0x20: {  	s5 =	sshll.u32 s28, $0x1;
	[dreg:$0x2] =	wrdreg s3  }
0x21: {  	[dreg:$0x3] =	wrdreg s5  }
0x22: {  	[dreg:$0x4] =	wrdreg $0xC0  }
0x23: {  	_ =	task [dreg:s7], $0x5FFFF  }
0x24: {  	[dreg:$0x1] =	wrdreg $0xFFFFFFFF  }
0x25: {  	[dreg:$0x0] =	wrdreg $0x60  }
0x26: {  	[dreg:$0x2] =	wrdreg s25  }
0x27: {  	[dreg:$0x3] =	wrdreg s2  }
0x28: {  	[dreg:$0x4] =	wrdreg $0x9  }
0x29: {  	_ =	task.clear_ibuf [dreg:s7], $0x5FFFF;
	_ =	strace $0x90000049  }
0x2a: {  	s29 =	simm.s32 $0x9;
	_ =	strace $0x8000004B  }
0x2b: {  	_ =	swait.ge [sflag:s29], $0x1  }
0x2c: {  	[sflag:s29] =	ssyncadd.s32 $0xFFFFFFFF  }
0x2d: {  	_ =	strace $0x9000004B  }
0x2e: {  	_ =	sfence  }
0x2f: {  	s30 =	sld [smem:$0x0];
	_ =	sdelay $0x2  }
0x30: {  	s31 =	sshll.u32 s1, $0xD;
	s1 =	sshrl.u32 s1, $0x2  }
0x31: {  	s3 =	sand.u32 $0x4000, s31;
	s1 =	sadd.s32 s1, s30  }
0x32: {  	s0 =	sor.u32 s3, s0;
	s1 =	sshll.u32 s1, $0x11  }
0x33: {  	s0 =	sor.u32 s1, s0  }
0x34: {  	s0 =	sadd.s32 $0x8F2B, s0  }
0x35: {  	[sflag:s0] =	ssyncadd.remote.s32 $0x1  }
0x36: {  	_ =	sfence.sel $0xFFFF  }
0x37: {  	[dreg:$0x0] =	wrdreg $0xFFFFFFFF;
	(pc) =	sbr.abs _section_cstart, $3  }
0x38: {  	[dreg:$0x1] =	wrdreg $0xFFFFFFFF  }
0x39: {  	_ =	task.clear_ibuf [dreg:s7], $0x2FFFF;
	_ =	strace $0x9FFFFFFF  }
0x3a: {  	(tm) =	ssettm $0x7FFFFFFF  }
0x3b: {  	_ =	shalt  }
tec
execute0_lowered:
.L_overlay_start_1:
0x0: {  	(tag) =	ssettag $0x1  }
0x1: {  	s0 =	srdreg.scid  }
0x2: {  	s1 =	sshll.u32 s0, $0x4  }
0x3: {  	s5 =	rddreg [dreg:$0x0];
	s0 =	stileid.u32;
	s1 =	sand.u32 $0x10, s1  }
0x4: {  	s3 =	rddreg [dreg:$0x1];
	s31 =	simm.s32 $0x2;
	s4 =	sor.u32 s0, s1  }
0x5: {  	s13 =	simm.s32 $0x0;
	s9 =	simm.s32 $0x400;
	s2 =	sshll.u32 s4, $0x7  }
0x6: {  	s10 =	simm.s32 $0x8000;
	s14 =	simm.s32 $0x0;
	s6 =	ssub.s32 $0x1000, s2  }
0x7: {  	s1 =	rddreg [dreg:$0x2];
	_ =	strace $0x8000004A;
	s7 =	sand.u32 $0xF80, s6  }
0x8: {  	s4 =	sshll.u32 s4, $0xB;
	p0 =	sne.s32 s7, $0x0;
	s7 =	simm.s32 $0x1  }
.Ltmp0:
0x9: {  	s6 =	sshrl.u32 s6, $0xC;
	s7 =	simm.s32 @!p0 $0x0;
	(pc) =	sbr.rel .LBB1_1-.Ltmp0, $4  }
0xa: {  	s8 =	sadd.s32 s4, s5;
	s4 =	simm.s32 $0x1;
	s30 =	sadd.s32 s7, s6  }
0xb: {  	s11 =	simm.s32 $0x0;
	[sflag:s4] =	ssyncpa.u1 $0x0;
	s5 =	smul.u32 $0x64, s30  }
0xc: {  	s12 =	simm.s32 $0x0;
	[sflag:s31] =	ssyncpa.u1 $0x0;
	p0 =	por $0x0, $0x0  }
0xd: {  	s6 =	sadd.s32 $0xA00, s8;
	s7 =	sadd.s32 $0x10A00, s8;
	s8 =	sor.u32 $0x1, s5  }
.LBB1_7:
0xe: {  	s15 =	sadd.s32 $0x2, s11  }
0xf: {  	p2 =	sgt.s32 s15, $0xC7  }
0x10: {  	s15 =	simm.s32 @p2 $0x0;
	p2 =	sne.s32 s12, s8  }
.Ltmp1:
0x11: {  	p1 =	slt.u32 s12, $0x2;
	(pc) =	sbr.rel @!p2 .LBB1_8-.Ltmp1, $4  }
0x12: {  	s13 =	simm.s32 @!p1 $0x2  }
0x13: {  	s16 =	sadd.s32 $0x1, s12;
	s14 =	smov.u32 s11;
	_ =	swait.ge @!p1 [sflag:s13], $0x4000  }
0x14: {  	p0 =	por !p0, !p0;
	s12 =	smov.u32 s16;
	[sflag:s13] =	ssyncset.done @!p1 $0x0  }
0x15: {  	s11 =	smov.u32 s15;
	[sflag:s13] =	ssyncadd.s32 @!p1 $0xFFFFC000;
	s13 =	smov.u32 s2  }
.LBB1_1:
0x16: {  	p1 =	sge.u32 s12, s5  }
0x17: {  	s15 =	sxor.u32 @!p1 $0xFFFFFFFF, s12  }
0x18: {  	s16 =	sshll.u32 @!p1 s11, $0x10;
	s18 =	simm.s32 @!p1 $0x40;
	s15 =	sshll.u32 @!p1 s15, $0xE  }
0x19: {  	s19 =	simm.s32 @!p1 $0x80;
	s17 =	sadd.s32 @!p1 s16, s6;
	s15 =	sand.u32 @!p1 $0x4000, s15  }
0x1a: {  	[tilespmem:s15], [sflag:$0x1] =	stream.strided.gather @!p1 [hbm4b:s17+s18], $0x2000, s19, s18, $0x38;
	[tilespmem:$0x10100] =	vst v63  }
0x1b: {  	s31 =	sadd.s32 $0xFFFFFFFF, s12;
	s16 =	sadd.s32 @!p1 s16, s7;
	s15 =	sor.u32 @!p1 $0x2000, s15  }
0x1c: {  	[tilespmem:s15], [sflag:$0x1] =	stream.strided.gather @!p1 [hbm4b:s16+s18], $0x2000, s19, s18, $0x38;
	[tilespmem:$0x10100] =	vst v63  }
0x1d: {  	p1 =	sge.u32 s31, s5  }
.Ltmp2:
0x1e: {  	_ = 	snop;
	(pc) =	sbr.rel @p1 .LBB1_7-.Ltmp2, $1  }
0x1f: {  	_ =	sdelay $0x3  }
0x20: {  	s15 =	simm.s32 $0x1;
	s17 =	sand.u32 $0x1, s12  }
0x21: {  	_ =	swait.ge [sflag:s4], $0x4000;
	s15 =	simm.s32 @!p0 $0x0;
	s17 =	smul.u32 $0x10200, s17  }
0x22: {  	p2 =	por $0x1, $0x1;
	[sflag:s4] =	ssyncset.done $0x0;
	s16 =	smul.u32 $0x10200, s15  }
0x23: {  	s18 =	sshll.u32 s15, $0x10;
	[sflag:s4] =	ssyncadd.s32 $0xFFFFC000;
	s30 =	sshrl.u32 s17, $0x2  }
0x24: {  	s31 =	sshrl.u32 s18, $0x2;
	s18 =	simm.s32 $0x0;
	s16 =	sshrl.u32 s16, $0x2  }
0x25: {  	s15 =	sor.u32 $0x8000, s30;
	s17 =	sadd.s32 $0x20, s31;
	s16 =	sor.u32 $0x8000, s16  }
.LBB1_3:
0x26: {  	s19 =	sshll.u32 s18, $0xD  }
0x27: {  	s19 =	sand.u32 $0x3FFFE000, s19  }
0x28: {  	s21 =	sadd.s32 s19, s17  }
0x29: {  	s31 =	smul.u32 $0x8100, s18;
	v3 =	vld [tilespmem:s21+$0x10]  }
0x2a: {  	v1 =	vld [tilespmem:s21+$0xFFFFFFF0]  }
0x2b: {  	s18 =	sshra.s32 s31, $0x2;
	v0 =	vld [tilespmem:s21+$0x0]  }
0x2c: {  	s18 =	sadd.s32 s18, s16;
	v2 =	vld [tilespmem:s21+$0xFFFFFFE0]  }
0x2d: {  	s19 =	sadd.s32 $0x0, s18  }
0x2e: {  	p1 =	por p2, p2;
	s20 =	simm.s32 $0x4;
	s21 =	sadd.s32 $0x40, s21;
	[tilespmem:s19+$0x1830 ss:$0x81] =	vst.msk $0xffff, v3  }
.LBB1_4:
0x2f: {  	v3 =	vld [tilespmem:s21+$0x10];
	p2 =	sne.s32 s20, $0x1FC;
	[tilespmem:s19+$0x810 ss:$0x81] =	vst.msk $0xffff, v1;
	s22 =	smov.u32 s20;
	s20 =	sadd.s32 $0x4, s20  }
.Ltmp3:
0x30: {  	v1 =	vld [tilespmem:s21+$0xFFFFFFF0];
	[tilespmem:s19+$0x1020 ss:$0x81] =	vst.msk $0xffff, v0;
	(pc) =	sbr.rel @p2 .LBB1_4-.Ltmp3, $4  }
0x31: {  	v0 =	vld [tilespmem:s21+$0x0];
	[tilespmem:s19+$0x0 ss:$0x81] =	vst.msk $0xffff, v2  }
0x32: {  	s19 =	sshra.s32 s22, $0x2;
	v2 =	vld [tilespmem:s21+$0xFFFFFFE0]  }
0x33: {  	s19 =	sadd.s32 s19, s18  }
0x34: {  	s21 =	sadd.s32 $0x40, s21;
	[tilespmem:s19+$0x1830 ss:$0x81] =	vst.msk $0xffff, v3  }
.Ltmp4:
0x35: {  	(pc) =	sbr.rel @p1 .LBB1_3-.Ltmp4, $4  }
0x36: {  	_ = 	snop  }
0x37: {  	[tilespmem:s19+$0x810 ss:$0x81] =	vst.msk $0xffff, v1  }
0x38: {  	[tilespmem:s19+$0x1020 ss:$0x81] =	vst.msk $0xffff, v0  }
0x39: {  	s18 =	simm.s32 $0x1;
	p2 =	por $0x0, $0x0;
	[tilespmem:s19+$0x0 ss:$0x81] =	vst.msk $0xffff, v2  }
.Ltmp5:
0x3a: {  	(pc) =	sbr.rel .LBB1_7-.Ltmp5, $4  }
0x3b: {  	s14 =	sshll.u32 s14, $0xF  }
0x3c: {  	s14 =	sadd.s32 s3, s14  }
0x3d: {  	s13 =	sadd.s32 s13, s14  }
0x3e: {  	[hbm4b:s13+s9] =	stream.strided.scatter [tilespmem:s15], [sflag:$0x2], $0x4000, s10, s9, $0x20;
	[tilespmem:$0x10100] =	vst v63  }
.LBB1_8:
0x3f: {  	_ =	sfence.sel $0x180000  }
0x40: {  	s2 =	simm.s32 $0x1;
	[bflag:$0x0] =	sbarrier.arrive $0xFFFF  }
0x41: {  	s31 =	simm.s32 $0x2;
	[sflag:s2] =	ssyncpa.u1 $0x1  }
0x42: {  	[sflag:s31] =	ssyncpa.u1 $0x1  }
0x43: {  	p0 =	sne.s32 s0, $0x0;
	_ =	strace $0x9000004A  }
0x44: {  	s0 =	sadd.s32 @!p0 $0x100000, s1;
	[bflag:$0x2] =	sbarrier.arrive $0xFFFF  }
0x45: {  	[sflag:s0] =	ssyncadd.tile.s32 @!p0 $0x1;
	_ =	shalt  }
.Lfunc_end1:
_tile_overlayer_lowered:
.L_overlay_start_2:
0x46: {  	(tag) =	ssettag $0x2  }
0x47: {  	s0 =	rddreg [dreg:$0x0];
	s2 =	stileid.u32  }
0x48: {  	s1 =	rddreg [dreg:$0x1];
	p0 =	sne.s32 s2, $0x0  }
0x49: {  	s3 =	rddreg [dreg:$0x2];
	[bflag:$0x3] =	sbarrier.arrive $0xFFFF;
	s2 =	simm.s32 @!p0 $0x1C01  }
0x4a: {  	[timem:s3], [sflag:s2] =	dma.local @!p0 [hbm:s0], s1  }
0x4b: {  	s0 =	simm.s32 @!p0 $0x1  }
0x4c: {  	_ =	swait.ge @!p0 [sflag:s0], s1  }
0x4d: {  	s1 =	ssub.s32 @!p0 $0x0, s1;
	[sflag:s0] =	ssyncset.done @!p0 $0x0  }
0x4e: {  	[sflag:s0] =	ssyncadd.s32 @!p0 s1  }
0x4f: {  	[bflag:$0x3] =	sbarrier.arrive $0xFFFF  }
0x50: {  	_ =	shalt  }

</sc_bundles>
